<compile_context>
chip_gen: v7x
topology: tpu7x:2x2x1
jax: 0.10.2.dev20260603
libtpu: 0.0.44.dev20260713+nightly
codegen_flags: <defaults>
</compile_context>

<pallas_src>
import functools

import jax
import jax.numpy as jnp
from jax import lax
from jax.experimental import pallas as pl
from jax.experimental.pallas import tpu as pltpu
from jax.experimental.pallas import tpu_sc as plsc

try:
    _INFO = plsc.get_sparse_core_info()
    _NC, _NS, _L = _INFO.num_cores, _INFO.num_subcores, _INFO.num_lanes
except Exception:
    _NC, _NS, _L = 2, 16, 16
_NW = _NC * _NS


def _make_sc_kernel(p):
    assert p % (_NW * _L) == 0
    n_per = p // _NW
    mesh = plsc.VectorSubcoreMesh(core_axis_name="c", subcore_axis_name="s")

    @functools.partial(
        pl.kernel,
        mesh=mesh,
        out_type=jax.ShapeDtypeStruct((p,), jnp.float32),
        scratch_types=[
            pltpu.VMEM((n_per,), jnp.float32),
            pltpu.VMEM((n_per,), jnp.float32),
            pltpu.VMEM((_L,), jnp.float32),
            pltpu.SemaphoreType.DMA,
        ],
    )
    def sc_kernel(u_hbm, x_hbm, w_hbm, out_hbm, u_v, x_v, w_v, sem):
        wid = lax.axis_index("s") * _NC + lax.axis_index("c")
        base = wid * n_per
        sl_hbm = pl.ds(base, n_per)
        cp_u = pltpu.async_copy(u_hbm.at[sl_hbm], u_v, sem)
        cp_x = pltpu.async_copy(x_hbm.at[sl_hbm], x_v, sem)
        cp_w = pltpu.async_copy(w_hbm, w_v, sem)
        cp_u.wait()
        cp_x.wait()
        cp_w.wait()
        w = w_v[...]
        neg_w = -w
        for i in range(n_per // _L):
            sl = pl.ds(i * _L, _L)
            u = u_v[sl]
            b = u - x_v[sl]
            u_v[sl] = u - jnp.minimum(jnp.maximum(b, neg_w), w)
        pltpu.sync_copy(u_v, out_hbm.at[sl_hbm])

    return sc_kernel


def kernel(u, x, weights):
    p = u.shape[0]
    w16 = jnp.full((_L,), weights, dtype=jnp.float32)
    out = _make_sc_kernel(p)(u, x, w16)
    return out.reshape(x.shape)

# --- scband reference (transcript-rebuilt; emitter-appended) ---
"""Pipeline reference for scband-owl-prox-58497454571816 (READ-ONLY COPY).

The authoritative reference and input builder live on the scoring server;
editing this copy changes nothing except your own understanding.
"""

import jax, jax.numpy as jnp
import numpy as np


def _isotonic_nonincreasing(y, y_min=0.0):
    # Nonincreasing L2 isotonic regression via the minimax (pool) formula,
    # computed by reduction to a nondecreasing fit on -y.
    z = -y
    n = z.shape[0]
    S = jnp.concatenate([jnp.zeros((1,), z.dtype), jnp.cumsum(z)])
    j = jnp.arange(n)[:, None]
    k = jnp.arange(n)[None, :]
    valid = k >= j
    lens = jnp.where(valid, (k - j + 1), 1).astype(z.dtype)
    A = (S[1:][None, :] - S[:-1][:, None]) / lens  # A[j,k] = mean(z[j..k])
    A = jnp.where(valid, A, -jnp.inf)
    B = jax.lax.cummax(A, axis=0)  # max over j <= i
    D = jnp.flip(jax.lax.cummin(jnp.flip(B, axis=1), axis=1), axis=1)  # min over k >= i
    f = jnp.diagonal(D)  # nondecreasing fit of z
    g = -f  # nonincreasing fit of y
    return jnp.maximum(g, y_min)  # clip to y_min (as sklearn isotonic_regression does)


def setup_inputs(seed: int = 0) -> dict:
    key = jax.random.key(seed)
    k1, k2 = jax.random.split(key)
    u = jax.random.normal(k1, (4096,), dtype=jnp.float32)
    x = jax.random.normal(k2, (4096,), dtype=jnp.float32)
    weights = jnp.float32(0.001)  # init arg (scalar OWL weight, numpy-broadcast in original)
    return {"u": u, "x": x, "weights": weights}


def reference(u, x, weights):
    beta = (u - x).reshape(-1)
    p = beta.shape[0]
    abs_beta = jnp.abs(beta)
    ix = jnp.argsort(-abs_beta)  # descending by magnitude
    sorted_abs = abs_beta[ix]
    iso_input = sorted_abs - weights
    fitted = _isotonic_nonincreasing(iso_input, 0.0)
    idxs = jnp.zeros_like(ix).at[ix].set(jnp.arange(p))
    abs_out = fitted[idxs]
    proxd = jnp.sign(beta) * abs_out
    return x + proxd.reshape(x.shape)

if __name__ == "__main__":
    import jax
    _d = setup_inputs()
    print(jax.jit(kernel)(*tuple(_d.values())))

</pallas_src>

<mosaic_0001>
#map = affine_map<(d0, d1) -> (0)>
module attributes {stable_mosaic.version = 14 : i64} {
  func.func @sc_kernel(%arg0: i32, %arg1: i32, %arg2: memref<4096xf32, #tpu.memory_space<hbm>>, %arg3: memref<4096xf32, #tpu.memory_space<hbm>>, %arg4: memref<16xf32, #tpu.memory_space<hbm>>, %arg5: memref<4096xf32, #tpu.memory_space<hbm>>, %arg6: memref<128xf32, #tpu.memory_space<vmem>>, %arg7: memref<128xf32, #tpu.memory_space<vmem>>, %arg8: memref<16xf32, #tpu.memory_space<vmem>>, %arg9: memref<!tpu.dma_semaphore, #tpu.memory_space<semaphore_mem>>) attributes {dimension_semantics = [#tpu.dimension_semantics<core_parallel>, #tpu.dimension_semantics<subcore_parallel>], iteration_bounds = array<i64: 2, 16>, scalar_prefetch = 0 : i64, scratch_operands = 4 : i64, tpu.core_type = #tpu.core_type<sc_vector_subcore>, window_params = [{transform_indices = #map}, {transform_indices = #map}, {transform_indices = #map}, {transform_indices = #map}]} {
    %mul3A = arith.constant 2 : i32
    %mul3A_0 = arith.muli %arg1, %mul3A : i32
    %add3A = arith.addi %mul3A_0, %arg0 : i32
    %mul3A_1 = arith.constant 128 : i32
    %mul3A_2 = arith.muli %add3A, %mul3A_1 : i32
    %dma_start3A = tpu.memref_slice %arg2[%mul3A_2] : memref<4096xf32, #tpu.memory_space<hbm>> -> memref<128xf32, #tpu.memory_space<hbm>>
    %dma_start3A_3 = tpu.memref_slice %arg2[%mul3A_2] : memref<4096xf32, #tpu.memory_space<hbm>> -> memref<128xf32, #tpu.memory_space<hbm>>
    tpu.enqueue_dma source(%dma_start3A_3 : memref<128xf32, #tpu.memory_space<hbm>>) target(%arg6 : memref<128xf32, #tpu.memory_space<vmem>>) target_semaphore(%arg9 : memref<!tpu.dma_semaphore, #tpu.memory_space<semaphore_mem>>)
    %dma_start3A_4 = tpu.memref_slice %arg3[%mul3A_2] : memref<4096xf32, #tpu.memory_space<hbm>> -> memref<128xf32, #tpu.memory_space<hbm>>
    %dma_start3A_5 = tpu.memref_slice %arg3[%mul3A_2] : memref<4096xf32, #tpu.memory_space<hbm>> -> memref<128xf32, #tpu.memory_space<hbm>>
    tpu.enqueue_dma source(%dma_start3A_5 : memref<128xf32, #tpu.memory_space<hbm>>) target(%arg7 : memref<128xf32, #tpu.memory_space<vmem>>) target_semaphore(%arg9 : memref<!tpu.dma_semaphore, #tpu.memory_space<semaphore_mem>>)
    tpu.enqueue_dma source(%arg4 : memref<16xf32, #tpu.memory_space<hbm>>) target(%arg8 : memref<16xf32, #tpu.memory_space<vmem>>) target_semaphore(%arg9 : memref<!tpu.dma_semaphore, #tpu.memory_space<semaphore_mem>>)
    %dma_wait3A = tpu.memref_slice %arg2[%mul3A_2] : memref<4096xf32, #tpu.memory_space<hbm>> -> memref<128xf32, #tpu.memory_space<hbm>>
    %dma_wait3A_6 = tpu.memref_slice %arg2[%mul3A_2] : memref<4096xf32, #tpu.memory_space<hbm>> -> memref<128xf32, #tpu.memory_space<hbm>>
    tpu.wait_dma2 semaphore(%arg9 : memref<!tpu.dma_semaphore, #tpu.memory_space<semaphore_mem>>) src(%dma_wait3A_6 : memref<128xf32, #tpu.memory_space<hbm>>) dst(%arg6 : memref<128xf32, #tpu.memory_space<vmem>>)
    %dma_wait3A_7 = tpu.memref_slice %arg3[%mul3A_2] : memref<4096xf32, #tpu.memory_space<hbm>> -> memref<128xf32, #tpu.memory_space<hbm>>
    %dma_wait3A_8 = tpu.memref_slice %arg3[%mul3A_2] : memref<4096xf32, #tpu.memory_space<hbm>> -> memref<128xf32, #tpu.memory_space<hbm>>
    tpu.wait_dma2 semaphore(%arg9 : memref<!tpu.dma_semaphore, #tpu.memory_space<semaphore_mem>>) src(%dma_wait3A_8 : memref<128xf32, #tpu.memory_space<hbm>>) dst(%arg7 : memref<128xf32, #tpu.memory_space<vmem>>)
    tpu.wait_dma2 semaphore(%arg9 : memref<!tpu.dma_semaphore, #tpu.memory_space<semaphore_mem>>) src(%arg4 : memref<16xf32, #tpu.memory_space<hbm>>) dst(%arg8 : memref<16xf32, #tpu.memory_space<vmem>>)
    %get3A = arith.constant 0 : index
    %get3A_9 = tpu.vector_load %arg8[%get3A] {strides = array<i32>} : memref<16xf32, #tpu.memory_space<vmem>>, vector<16xf32>,
    %get3A_10 = vector.shape_cast %get3A_9 : vector<16xf32> to vector<16xf32>
    %neg3A = arith.constant 0.000000e+00 : f32
    %neg3A_11 = vector.broadcast %neg3A : f32 to vector<16xf32>
    %neg3A_12 = arith.subf %neg3A_11, %get3A_10 : vector<16xf32>
    %get3A_13 = arith.constant 0 : index
    %get3A_14 = tpu.vector_load %arg6[%get3A_13] {strides = array<i32>} : memref<128xf32, #tpu.memory_space<vmem>>, vector<16xf32>,
    %get3A_15 = vector.shape_cast %get3A_14 : vector<16xf32> to vector<16xf32>
    %get3A_16 = arith.constant 0 : index
    %get3A_17 = tpu.vector_load %arg7[%get3A_16] {strides = array<i32>} : memref<128xf32, #tpu.memory_space<vmem>>, vector<16xf32>,
    %get3A_18 = vector.shape_cast %get3A_17 : vector<16xf32> to vector<16xf32>
    %sub3A = arith.subf %get3A_15, %get3A_18 : vector<16xf32>
    %max3A = arith.maximumf %sub3A, %neg3A_12 : vector<16xf32>
    %min3A = arith.minimumf %max3A, %get3A_10 : vector<16xf32>
    %sub3A_19 = arith.subf %get3A_15, %min3A : vector<16xf32>
    %swap3A = arith.constant 0 : index
    %swap3A_20 = tpu.vector_load %arg6[%swap3A] {strides = array<i32>} : memref<128xf32, #tpu.memory_space<vmem>>, vector<16xf32>,
    %swap3A_21 = vector.shape_cast %swap3A_20 : vector<16xf32> to vector<16xf32>
    %swap3A_22 = vector.shape_cast %sub3A_19 : vector<16xf32> to vector<16xf32>
    tpu.vector_store %arg6[%swap3A], %swap3A_22 {strides = array<i32>} : memref<128xf32, #tpu.memory_space<vmem>>, vector<16xf32>,
    %get3A_23 = arith.constant 16 : index
    %get3A_24 = tpu.vector_load %arg6[%get3A_23] {strides = array<i32>} : memref<128xf32, #tpu.memory_space<vmem>>, vector<16xf32>,
    %get3A_25 = vector.shape_cast %get3A_24 : vector<16xf32> to vector<16xf32>
    %get3A_26 = arith.constant 16 : index
    %get3A_27 = tpu.vector_load %arg7[%get3A_26] {strides = array<i32>} : memref<128xf32, #tpu.memory_space<vmem>>, vector<16xf32>,
    %get3A_28 = vector.shape_cast %get3A_27 : vector<16xf32> to vector<16xf32>
    %sub3A_29 = arith.subf %get3A_25, %get3A_28 : vector<16xf32>
    %max3A_30 = arith.maximumf %sub3A_29, %neg3A_12 : vector<16xf32>
    %min3A_31 = arith.minimumf %max3A_30, %get3A_10 : vector<16xf32>
    %sub3A_32 = arith.subf %get3A_25, %min3A_31 : vector<16xf32>
    %swap3A_33 = arith.constant 16 : index
    %swap3A_34 = tpu.vector_load %arg6[%swap3A_33] {strides = array<i32>} : memref<128xf32, #tpu.memory_space<vmem>>, vector<16xf32>,
    %swap3A_35 = vector.shape_cast %swap3A_34 : vector<16xf32> to vector<16xf32>
    %swap3A_36 = vector.shape_cast %sub3A_32 : vector<16xf32> to vector<16xf32>
    tpu.vector_store %arg6[%swap3A_33], %swap3A_36 {strides = array<i32>} : memref<128xf32, #tpu.memory_space<vmem>>, vector<16xf32>,
    %get3A_37 = arith.constant 32 : index
    %get3A_38 = tpu.vector_load %arg6[%get3A_37] {strides = array<i32>} : memref<128xf32, #tpu.memory_space<vmem>>, vector<16xf32>,
    %get3A_39 = vector.shape_cast %get3A_38 : vector<16xf32> to vector<16xf32>
    %get3A_40 = arith.constant 32 : index
    %get3A_41 = tpu.vector_load %arg7[%get3A_40] {strides = array<i32>} : memref<128xf32, #tpu.memory_space<vmem>>, vector<16xf32>,
    %get3A_42 = vector.shape_cast %get3A_41 : vector<16xf32> to vector<16xf32>
    %sub3A_43 = arith.subf %get3A_39, %get3A_42 : vector<16xf32>
    %max3A_44 = arith.maximumf %sub3A_43, %neg3A_12 : vector<16xf32>
    %min3A_45 = arith.minimumf %max3A_44, %get3A_10 : vector<16xf32>
    %sub3A_46 = arith.subf %get3A_39, %min3A_45 : vector<16xf32>
    %swap3A_47 = arith.constant 32 : index
    %swap3A_48 = tpu.vector_load %arg6[%swap3A_47] {strides = array<i32>} : memref<128xf32, #tpu.memory_space<vmem>>, vector<16xf32>,
    %swap3A_49 = vector.shape_cast %swap3A_48 : vector<16xf32> to vector<16xf32>
    %swap3A_50 = vector.shape_cast %sub3A_46 : vector<16xf32> to vector<16xf32>
    tpu.vector_store %arg6[%swap3A_47], %swap3A_50 {strides = array<i32>} : memref<128xf32, #tpu.memory_space<vmem>>, vector<16xf32>,
    %get3A_51 = arith.constant 48 : index
    %get3A_52 = tpu.vector_load %arg6[%get3A_51] {strides = array<i32>} : memref<128xf32, #tpu.memory_space<vmem>>, vector<16xf32>,
    %get3A_53 = vector.shape_cast %get3A_52 : vector<16xf32> to vector<16xf32>
    %get3A_54 = arith.constant 48 : index
    %get3A_55 = tpu.vector_load %arg7[%get3A_54] {strides = array<i32>} : memref<128xf32, #tpu.memory_space<vmem>>, vector<16xf32>,
    %get3A_56 = vector.shape_cast %get3A_55 : vector<16xf32> to vector<16xf32>
    %sub3A_57 = arith.subf %get3A_53, %get3A_56 : vector<16xf32>
    %max3A_58 = arith.maximumf %sub3A_57, %neg3A_12 : vector<16xf32>
    %min3A_59 = arith.minimumf %max3A_58, %get3A_10 : vector<16xf32>
    %sub3A_60 = arith.subf %get3A_53, %min3A_59 : vector<16xf32>
    %swap3A_61 = arith.constant 48 : index
    %swap3A_62 = tpu.vector_load %arg6[%swap3A_61] {strides = array<i32>} : memref<128xf32, #tpu.memory_space<vmem>>, vector<16xf32>,
    %swap3A_63 = vector.shape_cast %swap3A_62 : vector<16xf32> to vector<16xf32>
    %swap3A_64 = vector.shape_cast %sub3A_60 : vector<16xf32> to vector<16xf32>
    tpu.vector_store %arg6[%swap3A_61], %swap3A_64 {strides = array<i32>} : memref<128xf32, #tpu.memory_space<vmem>>, vector<16xf32>,
    %get3A_65 = arith.constant 64 : index
    %get3A_66 = tpu.vector_load %arg6[%get3A_65] {strides = array<i32>} : memref<128xf32, #tpu.memory_space<vmem>>, vector<16xf32>,
    %get3A_67 = vector.shape_cast %get3A_66 : vector<16xf32> to vector<16xf32>
    %get3A_68 = arith.constant 64 : index
    %get3A_69 = tpu.vector_load %arg7[%get3A_68] {strides = array<i32>} : memref<128xf32, #tpu.memory_space<vmem>>, vector<16xf32>,
    %get3A_70 = vector.shape_cast %get3A_69 : vector<16xf32> to vector<16xf32>
    %sub3A_71 = arith.subf %get3A_67, %get3A_70 : vector<16xf32>
    %max3A_72 = arith.maximumf %sub3A_71, %neg3A_12 : vector<16xf32>
    %min3A_73 = arith.minimumf %max3A_72, %get3A_10 : vector<16xf32>
    %sub3A_74 = arith.subf %get3A_67, %min3A_73 : vector<16xf32>
    %swap3A_75 = arith.constant 64 : index
    %swap3A_76 = tpu.vector_load %arg6[%swap3A_75] {strides = array<i32>} : memref<128xf32, #tpu.memory_space<vmem>>, vector<16xf32>,
    %swap3A_77 = vector.shape_cast %swap3A_76 : vector<16xf32> to vector<16xf32>
    %swap3A_78 = vector.shape_cast %sub3A_74 : vector<16xf32> to vector<16xf32>
    tpu.vector_store %arg6[%swap3A_75], %swap3A_78 {strides = array<i32>} : memref<128xf32, #tpu.memory_space<vmem>>, vector<16xf32>,
    %get3A_79 = arith.constant 80 : index
    %get3A_80 = tpu.vector_load %arg6[%get3A_79] {strides = array<i32>} : memref<128xf32, #tpu.memory_space<vmem>>, vector<16xf32>,
    %get3A_81 = vector.shape_cast %get3A_80 : vector<16xf32> to vector<16xf32>
    %get3A_82 = arith.constant 80 : index
    %get3A_83 = tpu.vector_load %arg7[%get3A_82] {strides = array<i32>} : memref<128xf32, #tpu.memory_space<vmem>>, vector<16xf32>,
    %get3A_84 = vector.shape_cast %get3A_83 : vector<16xf32> to vector<16xf32>
    %sub3A_85 = arith.subf %get3A_81, %get3A_84 : vector<16xf32>
    %max3A_86 = arith.maximumf %sub3A_85, %neg3A_12 : vector<16xf32>
    %min3A_87 = arith.minimumf %max3A_86, %get3A_10 : vector<16xf32>
    %sub3A_88 = arith.subf %get3A_81, %min3A_87 : vector<16xf32>
    %swap3A_89 = arith.constant 80 : index
    %swap3A_90 = tpu.vector_load %arg6[%swap3A_89] {strides = array<i32>} : memref<128xf32, #tpu.memory_space<vmem>>, vector<16xf32>,
    %swap3A_91 = vector.shape_cast %swap3A_90 : vector<16xf32> to vector<16xf32>
    %swap3A_92 = vector.shape_cast %sub3A_88 : vector<16xf32> to vector<16xf32>
    tpu.vector_store %arg6[%swap3A_89], %swap3A_92 {strides = array<i32>} : memref<128xf32, #tpu.memory_space<vmem>>, vector<16xf32>,
    %get3A_93 = arith.constant 96 : index
    %get3A_94 = tpu.vector_load %arg6[%get3A_93] {strides = array<i32>} : memref<128xf32, #tpu.memory_space<vmem>>, vector<16xf32>,
    %get3A_95 = vector.shape_cast %get3A_94 : vector<16xf32> to vector<16xf32>
    %get3A_96 = arith.constant 96 : index
    %get3A_97 = tpu.vector_load %arg7[%get3A_96] {strides = array<i32>} : memref<128xf32, #tpu.memory_space<vmem>>, vector<16xf32>,
    %get3A_98 = vector.shape_cast %get3A_97 : vector<16xf32> to vector<16xf32>
    %sub3A_99 = arith.subf %get3A_95, %get3A_98 : vector<16xf32>
    %max3A_100 = arith.maximumf %sub3A_99, %neg3A_12 : vector<16xf32>
    %min3A_101 = arith.minimumf %max3A_100, %get3A_10 : vector<16xf32>
    %sub3A_102 = arith.subf %get3A_95, %min3A_101 : vector<16xf32>
    %swap3A_103 = arith.constant 96 : index
    %swap3A_104 = tpu.vector_load %arg6[%swap3A_103] {strides = array<i32>} : memref<128xf32, #tpu.memory_space<vmem>>, vector<16xf32>,
    %swap3A_105 = vector.shape_cast %swap3A_104 : vector<16xf32> to vector<16xf32>
    %swap3A_106 = vector.shape_cast %sub3A_102 : vector<16xf32> to vector<16xf32>
    tpu.vector_store %arg6[%swap3A_103], %swap3A_106 {strides = array<i32>} : memref<128xf32, #tpu.memory_space<vmem>>, vector<16xf32>,
    %get3A_107 = arith.constant 112 : index
    %get3A_108 = tpu.vector_load %arg6[%get3A_107] {strides = array<i32>} : memref<128xf32, #tpu.memory_space<vmem>>, vector<16xf32>,
    %get3A_109 = vector.shape_cast %get3A_108 : vector<16xf32> to vector<16xf32>
    %get3A_110 = arith.constant 112 : index
    %get3A_111 = tpu.vector_load %arg7[%get3A_110] {strides = array<i32>} : memref<128xf32, #tpu.memory_space<vmem>>, vector<16xf32>,
    %get3A_112 = vector.shape_cast %get3A_111 : vector<16xf32> to vector<16xf32>
    %sub3A_113 = arith.subf %get3A_109, %get3A_112 : vector<16xf32>
    %max3A_114 = arith.maximumf %sub3A_113, %neg3A_12 : vector<16xf32>
    %min3A_115 = arith.minimumf %max3A_114, %get3A_10 : vector<16xf32>
    %sub3A_116 = arith.subf %get3A_109, %min3A_115 : vector<16xf32>
    %swap3A_117 = arith.constant 112 : index
    %swap3A_118 = tpu.vector_load %arg6[%swap3A_117] {strides = array<i32>} : memref<128xf32, #tpu.memory_space<vmem>>, vector<16xf32>,
    %swap3A_119 = vector.shape_cast %swap3A_118 : vector<16xf32> to vector<16xf32>
    %swap3A_120 = vector.shape_cast %sub3A_116 : vector<16xf32> to vector<16xf32>
    tpu.vector_store %arg6[%swap3A_117], %swap3A_120 {strides = array<i32>} : memref<128xf32, #tpu.memory_space<vmem>>, vector<16xf32>,
    "tpu.region"() ({
      %run_scoped3A = tpu.sem_alloc : memref<!tpu.dma_semaphore, #tpu.memory_space<semaphore_mem>>
      %dma_start3A_121 = tpu.memref_slice %arg5[%mul3A_2] : memref<4096xf32, #tpu.memory_space<hbm>> -> memref<128xf32, #tpu.memory_space<hbm>>
      %dma_start3A_122 = tpu.memref_slice %arg5[%mul3A_2] : memref<4096xf32, #tpu.memory_space<hbm>> -> memref<128xf32, #tpu.memory_space<hbm>>
      tpu.enqueue_dma source(%arg6 : memref<128xf32, #tpu.memory_space<vmem>>) target(%dma_start3A_122 : memref<128xf32, #tpu.memory_space<hbm>>) target_semaphore(%run_scoped3A : memref<!tpu.dma_semaphore, #tpu.memory_space<semaphore_mem>>)
      %dma_wait3A_123 = tpu.memref_slice %arg5[%mul3A_2] : memref<4096xf32, #tpu.memory_space<hbm>> -> memref<128xf32, #tpu.memory_space<hbm>>
      %dma_wait3A_124 = tpu.memref_slice %arg5[%mul3A_2] : memref<4096xf32, #tpu.memory_space<hbm>> -> memref<128xf32, #tpu.memory_space<hbm>>
      tpu.wait_dma2 semaphore(%run_scoped3A : memref<!tpu.dma_semaphore, #tpu.memory_space<semaphore_mem>>) src(%arg6 : memref<128xf32, #tpu.memory_space<vmem>>) dst(%dma_wait3A_124 : memref<128xf32, #tpu.memory_space<hbm>>)
      tpu.yield
    }) : () -> ()
    return
  }
}

</mosaic_0001>

<sc_bundles>
// kernel: kernel.3.cloned.1.call-start
scs
__scs_entry_jumppad:
0x0: {  	(pc) =	sbr.rel $0x88, $3  }
0x1: {  	(tag) =	ssettag $0x0;
	lr =	simm.s32 $0x1  }
0x2: {  	[smem:$0x3F9E] =	sst lr;
	_ =	strace $0xD0000000  }
0x3: {  	_ = 	snop  }
0x4: {  	_ = 	snop  }
0x5: {  	_ = 	snop  }
0x6: {  	_ = 	snop  }
0x7: {  	_ = 	snop  }
__scs_overlays_trampoline_lowered:
0x8: {  	[smem:$0x3FAD] =	sst s0  }
0x9: {  	[smem:$0x3FAE] =	sst s1  }
0xa: {  	[smem:$0x3FAF] =	sst s2  }
0xb: {  	[smem:$0x3FB0] =	sst s3  }
0xc: {  	[smem:$0x3FB1] =	sst s4  }
0xd: {  	[smem:$0x3FB2] =	sst s5  }
0xe: {  	[smem:$0x3FB3] =	sst s6  }
0xf: {  	[smem:$0x3FB4] =	sst s7  }
0x10: {  	[smem:$0x3FB5] =	sst s8  }
0x11: {  	[smem:$0x3FB6] =	sst s9;
	s0 =	simm.s32 @!p0 $0x0  }
0x12: {  	s1 =	sld [smem:$0x3F9C];
	s0 =	simm.s32 @p0 $0x1  }
0x13: {  	[smem:$0x3FB7] =	sst s0;
	s0 =	simm.s32 @!p1 $0x0  }
0x14: {  	s2 =	sld [smem:$0x3F9B];
	s0 =	simm.s32 @p1 $0x1  }
0x15: {  	[smem:$0x3FB8] =	sst s0;
	s0 =	simm.s32 @!p2 $0x0  }
0x16: {  	s3 =	sld [smem:$0x3FDB];
	s0 =	simm.s32 @p2 $0x1  }
0x17: {  	s4 =	simm.s32 $0x1BF5;
	[smem:$0x3FBA] =	sst s0  }
0x18: {  	s0 =	sld [smem:$0x3F9D];
	_ =	swait.ge [sflag:s4], $0x0  }
0x19: {  	s7 =	sld [smem:$0x3F9E]  }
0x1a: {  	s8 =	sadd.s32 $0xFFFFE003, lr  }
0x1b: {  	s9 =	sadd.s32 $0xFFFFFEF7, lr;
	s5 =	simm.s32 $0xFFFFFFFF;
	p2 =	slt.u32 s8, $0xFFFFF086  }
0x1c: {  	p1 =	slt.u32 s9, $0xF7A;
	s5 =	simm.s32 @!p2 $0x0  }
0x1d: {  	s5 =	simm.s32 @p1 $0x1;
	p0 =	seq.s32 s7, s2  }
0x1e: {  	s7 =	smul.u32 @!p0 $0xF7A, s2;
	p2 =	seq.s32 @!p0 s5, $0x0  }
0x1f: {  	s9 =	smul.u32 $0xF7A, s1;
	s8 =	simm.s32 @!p0 $0x1BF5;
	p2 =	por !p2, p0  }
0x20: {  	[sflag:s8] =	ssyncset.s32 @!p0 $0xFFFFF086;
	s6 =	sadd.s32 @!p0 s3, s7;
	s7 =	simm.s32 @!p0 $0x108  }
0x21: {  	s3 =	sadd.s32 s3, s9;
	s6 =	sadd.s32 @!p0 $0x88, s6;
	s7 =	simm.s32 @p2 $0x1082  }
0x22: {  	[simem:s7], [sflag:s8] =	dma.local @!p0 [hbm:s6], $0xF7A  }
0x23: {  	s9 =	sor.u32 $0xD0000000, s2;
	s6 =	simm.s32 $0x108;
	_ =	swait.ge @!p0 [sflag:s8], $0x0  }
0x24: {  	s3 =	sadd.s32 $0x88, s3;
	s6 =	simm.s32 @!p1 $0x1082;
	[sflag:s4] =	ssyncset.s32 $0xFFFFF086  }
0x25: {  	[simem:s6], [sflag:s4] =	dma.local [hbm:s3], $0xF7A  }
0x26: {  	[smem:$0x3F9E] =	sst s1;
	(tag) =	ssettag s2;
	_ =	strace s9  }
0x27: {  	s1 =	sld [smem:$0x3FAE]  }
0x28: {  	s2 =	sld [smem:$0x3FAF]  }
0x29: {  	s4 =	sld [smem:$0x3FB1]  }
0x2a: {  	p0 =	seq.s32 s5, $0x0;
	s5 =	sld [smem:$0x3FB2]  }
0x2b: {  	s6 =	sld [smem:$0x3FB3]  }
0x2c: {  	s7 =	sld [smem:$0x3FB4]  }
0x2d: {  	s3 =	simm.s32 $0x108;
	s8 =	sld [smem:$0x3FB5]  }
0x2e: {  	s3 =	simm.s32 @!p0 $0x1082;
	s9 =	sld [smem:$0x3FB6]  }
0x2f: {  	lr =	sadd.s32 s0, s3;
	s0 =	sld [smem:$0x3FAD]  }
0x30: {  	s3 =	sld [smem:$0x3FB0]  }
0x31: {  	[smem:$0x3FB9] =	sst s10  }
0x32: {  	s10 =	sld [smem:$0x3FB7];
	_ =	sdelay $0x3  }
0x33: {  	p0 =	seq.s32 s10, $0x1;
	s10 =	sld [smem:$0x3FB9];
	_ =	sdelay $0x3  }
0x34: {  	[smem:$0x3FB9] =	sst s10  }
0x35: {  	s10 =	sld [smem:$0x3FB8];
	_ =	sdelay $0x3  }
0x36: {  	p1 =	seq.s32 s10, $0x1;
	s10 =	sld [smem:$0x3FB9];
	_ =	sdelay $0x3  }
0x37: {  	[smem:$0x3FB9] =	sst s10  }
0x38: {  	s10 =	sld [smem:$0x3FBA]  }
0x39: {  	_ = 	snop;
	(pc) =	sbr.ind lr, $3  }
0x3a: {  	_ = 	snop  }
0x3b: {  	_ = 	snop  }
0x3c: {  	p2 =	seq.s32 s10, $0x1;
	s10 =	sld [smem:$0x3FB9]  }
0x3d: {  	_ =	shalt  }
0x3e: {  	_ =	shalt  }
0x3f: {  	_ =	shalt  }
0x40: {  	_ =	shalt  }
0x41: {  	_ =	shalt  }
0x42: {  	_ =	shalt  }
0x43: {  	_ =	shalt  }
0x44: {  	_ =	shalt  }
0x45: {  	_ =	shalt  }
0x46: {  	_ =	shalt  }
0x47: {  	_ =	shalt  }
0x48: {  	_ =	shalt  }
0x49: {  	_ =	shalt  }
0x4a: {  	_ =	shalt  }
0x4b: {  	_ =	shalt  }
0x4c: {  	_ =	shalt  }
0x4d: {  	_ =	shalt  }
0x4e: {  	_ =	shalt  }
0x4f: {  	_ =	shalt  }
0x50: {  	_ =	shalt  }
0x51: {  	_ =	shalt  }
0x52: {  	_ =	shalt  }
0x53: {  	_ =	shalt  }
0x54: {  	_ =	shalt  }
0x55: {  	_ =	shalt  }
0x56: {  	_ =	shalt  }
0x57: {  	_ =	shalt  }
0x58: {  	_ =	shalt  }
0x59: {  	_ =	shalt  }
0x5a: {  	_ =	shalt  }
0x5b: {  	_ =	shalt  }
0x5c: {  	_ =	shalt  }
0x5d: {  	_ =	shalt  }
0x5e: {  	_ =	shalt  }
0x5f: {  	_ =	shalt  }
0x60: {  	_ =	shalt  }
0x61: {  	_ =	shalt  }
0x62: {  	_ =	shalt  }
0x63: {  	_ =	shalt  }
0x64: {  	_ =	shalt  }
0x65: {  	_ =	shalt  }
0x66: {  	_ =	shalt  }
0x67: {  	_ =	shalt  }
0x68: {  	_ =	shalt  }
0x69: {  	_ =	shalt  }
0x6a: {  	_ =	shalt  }
0x6b: {  	_ =	shalt  }
0x6c: {  	_ =	shalt  }
0x6d: {  	_ =	shalt  }
0x6e: {  	_ =	shalt  }
0x6f: {  	_ =	shalt  }
0x70: {  	_ =	shalt  }
0x71: {  	_ =	shalt  }
0x72: {  	_ =	shalt  }
0x73: {  	_ =	shalt  }
0x74: {  	_ =	shalt  }
0x75: {  	_ =	shalt  }
0x76: {  	_ =	shalt  }
0x77: {  	_ =	shalt  }
0x78: {  	_ =	shalt  }
0x79: {  	_ =	shalt  }
0x7a: {  	_ =	shalt  }
0x7b: {  	_ =	shalt  }
0x7c: {  	_ =	shalt  }
0x7d: {  	_ =	shalt  }
0x7e: {  	_ =	shalt  }
0x7f: {  	_ =	shalt  }
0x80: {  	_ =	shalt  }
0x81: {  	_ =	shalt  }
0x82: {  	_ =	shalt  }
0x83: {  	_ =	shalt  }
0x84: {  	_ =	shalt  }
0x85: {  	_ =	shalt  }
0x86: {  	_ =	shalt  }
0x87: {  	_ =	shalt  }
.Lfunc_end0:
.L_simem_size_0:
called_computation_lowered:
.L_overlay_start_0:
0x88: {  	s2 =	sld [smem:$0x3FD9]  }
0x89: {  	s3 =	sld [smem:$0x3FFE];
	_ =	sdelay $0x1  }
0x8a: {  	s1 =	srdreg.scid  }
0x8b: {  	s0 =	sand.u32 $0x1, s1  }
0x8c: {  	s17 =	sshll.u32 s0, $0xA;
	s2 =	sadd.s32 s3, s2  }
0x8d: {  	s2 =	sadd.s32 s2, s17  }
0x8e: {  	[smem:$0x3FC5] =	sst s2  }
0x8f: {  	_ = 	snop  }
0x90: {  	s2 =	sld [smem:$0x3FC9]  }
0x91: {  	s18 =	sld [smem:$0x3FC8]  }
0x92: {  	s4 =	sld [smem:$0x3FD0];
	(tm) =	ssettm $0x1  }
0x93: {  	s5 =	sld [smem:$0x3FFB];
	_ =	sdelay $0x3  }
0x94: {  	_ =	strace s5  }
0x95: {  	s5 =	sld [smem:$0x3FFC];
	_ =	sdelay $0x3  }
0x96: {  	_ =	strace s5  }
0x97: {  	s5 =	sld [smem:$0x3FFD];
	_ =	sdelay $0x3  }
0x98: {  	_ =	strace s5  }
0x99: {  	_ =	strace $0x8FFFFFFF  }
0x9a: {  	s19 =	sld [smem:$0x3FDB];
	_ =	sdelay $0x1  }
0x9b: {  	s6 =	simm.s32 $_scs_section_size  }
0x9c: {  	s7 =	simm.s32 $_size__tile_overlayer_lowered;
	s8 =	simm.s32 $_tile_overlayer_lowered  }
0x9d: {  	s22 =	simm.s32 $0x1BFF;
	s21 =	sshll.u32 s8, $0x1;
	s5 =	sadd.s32 s6, s19  }
0x9e: {  	s9 =	simm.s32 $0x0;
	s20 =	sshll.u32 s7, $0x1;
	s7 =	sadd.s32 s21, s5  }
0x9f: {  	[timem:s9], [sflag:s22] =	dma.local [hbm:s7], s20  }
0xa0: {  	_ =	swait.ge [sflag:s22], s20  }
0xa1: {  	s6 =	ssub.s32 $0x0, s20;
	[sflag:s22] =	ssyncset.done $0x0  }
0xa2: {  	[sflag:s22] =	ssyncadd.s32 s6;
	_ =	sdelay $0x1  }
0xa3: {  	s23 =	simm.s32 $0x1B8B  }
0xa4: {  	_ =	swait.ge [sflag:s23], $0x1  }
0xa5: {  	[sflag:s23] =	ssyncset.done $0x0  }
0xa6: {  	s25 =	simm.s32 $0x1B8E;
	s24 =	sld [smem:$0x3FFE];
	[sflag:s23] =	ssyncadd.s32 $0xFFFFFFFF  }
0xa7: {  	s26 =	simm.s32 $execute0_lowered;
	[smem:$0x3FD2] =	sst s25  }
0xa8: {  	s7 =	sshll.u32 s26, $0x1;
	_ =	strace $0x80000046;
	[dreg:$0x1] =	wrdreg $0xFFFFFFFF  }
0xa9: {  	s28 =	simm.s32 $_size_execute0_lowered;
	s5 =	sadd.s32 s5, s7;
	[dreg:$0x0] =	wrdreg $0x0  }
0xaa: {  	s7 =	sshll.u32 s28, $0x1;
	[dreg:$0x2] =	wrdreg s5  }
0xab: {  	[dreg:$0x3] =	wrdreg s7  }
0xac: {  	[dreg:$0x4] =	wrdreg $0xC0  }
0xad: {  	_ =	task [dreg:s9], $0x5FFFF  }
0xae: {  	[dreg:$0x1] =	wrdreg $0xFFFFFFFF  }
0xaf: {  	[dreg:$0x0] =	wrdreg $0x60  }
0xb0: {  	[dreg:$0x2] =	wrdreg s2  }
0xb1: {  	[dreg:$0x3] =	wrdreg s18  }
0xb2: {  	[dreg:$0x4] =	wrdreg s24  }
0xb3: {  	[dreg:$0x5] =	wrdreg s4  }
0xb4: {  	[dreg:$0x6] =	wrdreg $0x9  }
0xb5: {  	_ =	task.clear_ibuf [dreg:s9], $0x7FFFF;
	_ =	strace $0x90000046  }
0xb6: {  	s29 =	simm.s32 $0x9;
	_ =	strace $0x80000048  }
0xb7: {  	_ =	swait.ge [sflag:s29], $0x1  }
0xb8: {  	[sflag:s29] =	ssyncadd.s32 $0xFFFFFFFF  }
0xb9: {  	_ =	strace $0x90000048  }
0xba: {  	_ =	sfence  }
0xbb: {  	s30 =	sld [smem:$0x0];
	_ =	sdelay $0x2  }
0xbc: {  	s31 =	sshll.u32 s1, $0xD;
	s1 =	sshrl.u32 s1, $0x2  }
0xbd: {  	s3 =	sand.u32 $0x4000, s31;
	s1 =	sadd.s32 s1, s30  }
0xbe: {  	s0 =	sor.u32 s3, s0;
	s1 =	sshll.u32 s1, $0x11  }
0xbf: {  	s0 =	sor.u32 s1, s0  }
0xc0: {  	s0 =	sadd.s32 $0x8F2B, s0  }
0xc1: {  	[sflag:s0] =	ssyncadd.remote.s32 $0x1  }
0xc2: {  	_ =	sfence.sel $0xFFFF  }
0xc3: {  	[dreg:$0x0] =	wrdreg $0xFFFFFFFF;
	(pc) =	sbr.abs _section_cstart, $3  }
0xc4: {  	[dreg:$0x1] =	wrdreg $0xFFFFFFFF  }
0xc5: {  	_ =	task.clear_ibuf [dreg:s9], $0x2FFFF;
	_ =	strace $0x9FFFFFFF  }
0xc6: {  	(tm) =	ssettm $0x7FFFFFFF  }
0xc7: {  	_ =	shalt  }
tec
execute0_lowered:
.L_overlay_start_1:
0x0: {  	(tag) =	ssettag $0x1  }
0x1: {  	s3 =	rddreg [dreg:$0x0]  }
0x2: {  	s4 =	rddreg [dreg:$0x1]  }
0x3: {  	s8 =	rddreg [dreg:$0x2];
	s2 =	srdreg.scid  }
0x4: {  	s11 =	rddreg [dreg:$0x3];
	s1 =	stileid.u32;
	s12 =	sand.u32 $0x1, s2  }
0x5: {  	s2 =	simm.s32 $0x0;
	s5 =	sshll.u32 s1, $0x5;
	s6 =	sshll.u32 s12, $0x4  }
0x6: {  	[smem:$0x7FF] =	sst s2;
	s13 =	sor.u32 s6, s5  }
0x7: {  	s0 =	rddreg [dreg:$0x4];
	_ =	strace $0x80000047;
	s5 =	sadd.s32 s3, s13  }
0x8: {  	[tilespmem:s2], [sflag:$0x1] =	stream.linear.gather [hbm4b:s5+s2], $0x80, $0x38;
	[tilespmem:$0x180] =	vst v63  }
0x9: {  	s7 =	simm.s32 $0x80;
	s6 =	sadd.s32 s4, s13  }
0xa: {  	[tilespmem:s7], [sflag:$0x1] =	stream.linear.gather [hbm4b:s6+s2], $0x80, $0x38;
	[tilespmem:$0x180] =	vst v63  }
0xb: {  	s9 =	simm.s32 $0x100;
	s10 =	simm.s32 $0x1;
	s8 =	sadd.s32 $0x400, s8  }
0xc: {  	[tilespmem:s9], [sflag:$0x1] =	stream.linear.gather [hbm4b:s8+s2], $0x80, $0x38;
	[tilespmem:$0x180] =	vst v63  }
0xd: {  	_ =	swait.ge [sflag:s10], $0x80  }
0xe: {  	[sflag:s10] =	ssyncset.done $0x0  }
0xf: {  	[sflag:s10] =	ssyncadd.s32 $0xFFFFFF80  }
0x10: {  	_ =	swait.ge [sflag:s10], $0x80  }
0x11: {  	[sflag:s10] =	ssyncset.done $0x0  }
0x12: {  	[sflag:s10] =	ssyncadd.s32 $0xFFFFFF80  }
0x13: {  	_ =	swait.ge [sflag:s10], $0x80  }
0x14: {  	[sflag:s10] =	ssyncset.done $0x0  }
0x15: {  	[sflag:s10] =	ssyncadd.s32 $0xFFFFFF80  }
0x16: {  	v4 =	vld [tilespmem:$0x90]  }
0x17: {  	v5 =	vld [tilespmem:$0xD0]  }
0x18: {  	s29 =	ssub.s32 $0x2, s12;
	v1 =	vld [tilespmem:$0x10]  }
0x19: {  	s30 =	sshrl.u32 s29, $0x1;
	v0 =	vld [tilespmem:$0x20]  }
0x1a: {  	s3 =	ssub.s32 s29, s30;
	v3 =	vld [tilespmem:$0x50]  }
0x1b: {  	s31 =	smax.u32 s3, $0x1;
	v2 =	vld [tilespmem:$0x100]  }
0x1c: {  	p0 =	sne.s32 s31, $0x1;
	v9 =	vld [tilespmem:$0xB0]  }
.Ltmp0:
0x1d: {  	v11 =	vld [tilespmem:$0xC0];
	(pc) =	sbr.rel @!p0 .LBB2_2-.Ltmp0, $4  }
0x1e: {  	v6 =	vld [tilespmem:$0x0]  }
0x1f: {  	v10 =	vld [tilespmem:$0x80]  }
0x20: {  	v8 =	vld [tilespmem:$0x40];
	v4 =	vsub.f32 v1, v4  }
0x21: {  	s4 =	sadd.s32 s11, s13;
	s3 =	simm.s32 $0x2;
	s11 =	sadd.s32 $0xFFFFFFFF, s31;
	v7 =	vld [tilespmem:$0x30];
	v12 =	vsub.f32 v3, v5;
	v5 =	vsub.f32 $0.0e+00, v2  }
.LBB2_1:
0x22: {  	p0 =	sne.s32 s11, $0x1;
	s11 =	sadd.s32 $0xFFFFFFFF, s11;
	v13 =	vld [tilespmem:$0xF0]  }
0x23: {  	v14 =	vld [tilespmem:$0xE0]  }
0x24: {  	v15 =	vld [tilespmem:$0x60]  }
0x25: {  	v11 =	vsub.f32 v8, v11;
	v16 =	vld [tilespmem:$0x70]  }
0x26: {  	v17 =	vld [tilespmem:$0xA0];
	v9 =	vsub.f32 v7, v9  }
0x27: {  	v10 =	vsub.f32 v6, v10  }
0x28: {  	v12 =	vmax.f32 v12, v5;
	v11 =	vmax.f32 v11, v5;
	v9 =	vmax.f32 v9, v5  }
0x29: {  	v12 =	vmin.f32 v12, v2;
	v10 =	vmax.f32 v10, v5;
	v14 =	vsub.f32 v15, v14  }
0x2a: {  	v11 =	vmin.f32 v11, v2;
	v9 =	vmin.f32 v9, v2;
	v13 =	vsub.f32 v16, v13  }
0x2b: {  	v10 =	vmin.f32 v10, v2;
	v8 =	vsub.f32 v8, v11;
	v17 =	vsub.f32 v0, v17  }
0x2c: {  	v6 =	vsub.f32 v6, v10;
	v10 =	vmax.f32 v13, v5  }
0x2d: {  	v7 =	vsub.f32 v7, v9;
	v11 =	vmax.f32 v17, v5;
	[tilespmem:$0x40] =	vst v8;
	v8 =	vmax.f32 v14, v5  }
0x2e: {  	v3 =	vsub.f32 v3, v12;
	[tilespmem:$0x0] =	vst v6;
	v6 =	vmin.f32 v8, v2;
	v8 =	vmin.f32 v10, v2  }
0x2f: {  	v4 =	vmax.f32 v4, v5;
	[tilespmem:$0x30] =	vst v7;
	v5 =	vsub.f32 v15, v6;
	v6 =	vsub.f32 v16, v8  }
0x30: {  	v4 =	vmin.f32 v4, v2;
	v2 =	vmin.f32 v11, v2;
	[tilespmem:$0x50] =	vst v3  }
0x31: {  	v1 =	vsub.f32 v1, v4;
	v0 =	vsub.f32 v0, v2;
	[tilespmem:$0x70] =	vst v6  }
0x32: {  	[tilespmem:$0x60] =	vst v5  }
0x33: {  	[tilespmem:$0x10] =	vst v1;
	_ =	sdelay $0x1  }
0x34: {  	[tilespmem:$0x20] =	vst v0  }
0x35: {  	[hbm4b:s4+s2] =	stream.linear.scatter [tilespmem:s2], [sflag:$0x2], $0x80, $0x38;
	[tilespmem:$0x180] =	vst v63  }
0x36: {  	_ =	swait.ge [sflag:s3], $0x80  }
0x37: {  	[sflag:s3] =	ssyncset.done $0x0  }
0x38: {  	[sflag:s3] =	ssyncadd.s32 $0xFFFFFF80  }
0x39: {  	[tilespmem:s2], [sflag:$0x1] =	stream.linear.gather [hbm4b:s5+s2], $0x80, $0x38;
	[tilespmem:$0x180] =	vst v63  }
0x3a: {  	_ = 	snop  }
0x3b: {  	[tilespmem:s7], [sflag:$0x1] =	stream.linear.gather [hbm4b:s6+s2], $0x80, $0x38;
	[tilespmem:$0x180] =	vst v63  }
0x3c: {  	_ = 	snop  }
0x3d: {  	[tilespmem:s9], [sflag:$0x1] =	stream.linear.gather [hbm4b:s8+s2], $0x80, $0x38;
	[tilespmem:$0x180] =	vst v63  }
0x3e: {  	_ =	swait.ge [sflag:s10], $0x80  }
0x3f: {  	[sflag:s10] =	ssyncset.done $0x0  }
0x40: {  	[sflag:s10] =	ssyncadd.s32 $0xFFFFFF80  }
0x41: {  	_ =	swait.ge [sflag:s10], $0x80  }
0x42: {  	[sflag:s10] =	ssyncset.done $0x0  }
0x43: {  	[sflag:s10] =	ssyncadd.s32 $0xFFFFFF80  }
0x44: {  	_ =	swait.ge [sflag:s10], $0x80  }
0x45: {  	[sflag:s10] =	ssyncset.done $0x0  }
0x46: {  	[sflag:s10] =	ssyncadd.s32 $0xFFFFFF80  }
0x47: {  	v4 =	vld [tilespmem:$0x90]  }
0x48: {  	v5 =	vld [tilespmem:$0xD0]  }
0x49: {  	v1 =	vld [tilespmem:$0x10]  }
0x4a: {  	v0 =	vld [tilespmem:$0x20]  }
0x4b: {  	v3 =	vld [tilespmem:$0x50]  }
0x4c: {  	v2 =	vld [tilespmem:$0x100]  }
0x4d: {  	v9 =	vld [tilespmem:$0xB0]  }
.Ltmp1:
0x4e: {  	v4 =	vsub.f32 v1, v4;
	v11 =	vld [tilespmem:$0xC0];
	(pc) =	sbr.rel @p0 .LBB2_1-.Ltmp1, $4  }
0x4f: {  	v6 =	vld [tilespmem:$0x0]  }
0x50: {  	v10 =	vld [tilespmem:$0x80];
	v12 =	vsub.f32 v3, v5  }
0x51: {  	v5 =	vsub.f32 $0.0e+00, v2;
	v8 =	vld [tilespmem:$0x40]  }
0x52: {  	v7 =	vld [tilespmem:$0x30]  }
.LBB2_2:
0x53: {  	v13 =	vld [tilespmem:$0xF0]  }
0x54: {  	v14 =	vld [tilespmem:$0xE0]  }
0x55: {  	v15 =	vld [tilespmem:$0x70]  }
0x56: {  	v16 =	vld [tilespmem:$0x60]  }
0x57: {  	v17 =	vld [tilespmem:$0xA0];
	v12 =	vmax.f32 v12, v5  }
0x58: {  	v4 =	vmax.f32 v4, v5;
	v10 =	vsub.f32 v6, v10;
	v12 =	vmin.f32 v12, v2  }
0x59: {  	v4 =	vmin.f32 v4, v2;
	v11 =	vsub.f32 v8, v11;
	v3 =	vsub.f32 v3, v12  }
0x5a: {  	v1 =	vsub.f32 v1, v4;
	v9 =	vsub.f32 v7, v9  }
0x5b: {  	v10 =	vmax.f32 v10, v5;
	v11 =	vmax.f32 v11, v5;
	v13 =	vsub.f32 v15, v13  }
0x5c: {  	v10 =	vmin.f32 v10, v2;
	v54 =	vsub.f32 v16, v14;
	v56 =	vsub.f32 v0, v17  }
0x5d: {  	[tilespmem:$0x50] =	vst v3;
	v9 =	vmax.f32 v9, v5;
	v11 =	vmin.f32 v11, v2;
	v55 =	vsub.f32 v6, v10  }
0x5e: {  	[tilespmem:$0x10] =	vst v1;
	v53 =	vsub.f32 v8, v11;
	v9 =	vmin.f32 v9, v2;
	v13 =	vmax.f32 v13, v5  }
0x5f: {  	v58 =	vmax.f32 v54, v5;
	v57 =	vsub.f32 v7, v9;
	[tilespmem:$0x0] =	vst v55;
	v59 =	vmin.f32 v13, v2  }
0x60: {  	v60 =	vmax.f32 v56, v5;
	v8 =	vmin.f32 v58, v2;
	[tilespmem:$0x40] =	vst v53;
	v6 =	vsub.f32 v15, v59  }
0x61: {  	v62 =	vmin.f32 v60, v2;
	v61 =	vsub.f32 v16, v8;
	[tilespmem:$0x30] =	vst v57  }
0x62: {  	v63 =	vsub.f32 v0, v62;
	[tilespmem:$0x70] =	vst v6  }
0x63: {  	[tilespmem:$0x60] =	vst v61  }
0x64: {  	[tilespmem:$0x20] =	vst v63  }
0x65: {  	[hbm4b:s4+s2] =	stream.linear.scatter [tilespmem:s2], [sflag:$0x2], $0x80, $0x38;
	[tilespmem:$0x180] =	vst v63  }
0x66: {  	_ =	swait.ge [sflag:s3], $0x80  }
0x67: {  	[sflag:s3] =	ssyncset.done $0x0  }
0x68: {  	[sflag:s3] =	ssyncadd.s32 $0xFFFFFF80  }
0x69: {  	_ =	sfence.sel $0x180000  }
0x6a: {  	[bflag:$0x0] =	sbarrier.arrive $0xFFFF  }
0x6b: {  	p0 =	sne.s32 s1, $0x0;
	_ =	strace $0x90000047  }
0x6c: {  	s0 =	sadd.s32 @!p0 $0x100000, s0;
	[bflag:$0x2] =	sbarrier.arrive $0xFFFF  }
0x6d: {  	[sflag:s0] =	ssyncadd.tile.s32 @!p0 $0x1;
	_ =	shalt  }
.Lfunc_end2:
_tile_overlayer_lowered:
.L_overlay_start_2:
0x6e: {  	(tag) =	ssettag $0x2  }
0x6f: {  	s0 =	rddreg [dreg:$0x0];
	s2 =	stileid.u32  }
0x70: {  	s1 =	rddreg [dreg:$0x1];
	p0 =	sne.s32 s2, $0x0  }
0x71: {  	s3 =	rddreg [dreg:$0x2];
	[bflag:$0x3] =	sbarrier.arrive $0xFFFF;
	s2 =	simm.s32 @!p0 $0x1C02  }
0x72: {  	[timem:s3], [sflag:s2] =	dma.local @!p0 [hbm:s0], s1  }
0x73: {  	s0 =	simm.s32 @!p0 $0x2  }
0x74: {  	_ =	swait.ge @!p0 [sflag:s0], s1  }
0x75: {  	s1 =	ssub.s32 @!p0 $0x0, s1;
	[sflag:s0] =	ssyncset.done @!p0 $0x0  }
0x76: {  	[sflag:s0] =	ssyncadd.s32 @!p0 s1  }
0x77: {  	[bflag:$0x3] =	sbarrier.arrive $0xFFFF  }
0x78: {  	_ =	shalt  }

</sc_bundles>
